<compile_context>
chip_gen: v7x
topology: tpu7x:2x2x1
jax: 0.10.2.dev20260603
libtpu: 0.0.44.dev20260713+nightly
codegen_flags: <defaults>
</compile_context>

<pallas_src>
import functools

import jax
import jax.numpy as jnp
from jax import lax
from jax.experimental import pallas as pl
from jax.experimental.pallas import tpu as pltpu
from jax.experimental.pallas import tpu_sc as plsc

B, F, V, D = 4096, 26, 2600000, 16
FD = F * D
MLP = [512, 256, 128]

NC, NS = 2, 16
NW = NC * NS
TOT = B * F
PER_W = TOT // NW
CH = 128
NCH = PER_W // CH


@functools.lru_cache(maxsize=1)
def _get_sc_gather():
    mesh = plsc.VectorSubcoreMesh(core_axis_name="c", subcore_axis_name="s")

    @functools.partial(
        pl.kernel,
        out_type=[
            jax.ShapeDtypeStruct((NW, PER_W, D), jnp.float32),
            jax.ShapeDtypeStruct((TOT,), jnp.float32),
        ],
        mesh=mesh,
        compiler_params=pltpu.CompilerParams(use_tc_tiling_on_sc=False),
        scratch_types=[
            pltpu.VMEM((NCH, CH), jnp.int32),
            pltpu.VMEM((PER_W, D), jnp.float32),
            pltpu.VMEM((PER_W,), jnp.float32),
            pltpu.SemaphoreType.DMA,
            pltpu.SemaphoreType.DMA,
        ],
    )
    def _sc_gather(x_hbm, emb_tbl, o1_tbl, emb_out, o1_out, idx_v, rows_v,
                   o1_v, sem_e, sem_o):
        wid = lax.axis_index("s") * NC + lax.axis_index("c")
        base = wid * PER_W

        pltpu.sync_copy(x_hbm.at[wid], idx_v)

        def chunk(i, carry):
            idx_row = idx_v.at[i]
            ce = pltpu.async_copy(emb_tbl.at[idx_row],
                                  rows_v.at[pl.ds(i * CH, CH)], sem_e)
            co = pltpu.async_copy(o1_tbl.at[idx_row],
                                  o1_v.at[pl.ds(i * CH, CH)], sem_o)
            ce.wait()
            co.wait()
            return carry

        lax.fori_loop(0, NCH, chunk, 0)

        pltpu.sync_copy(rows_v, emb_out.at[wid])
        pltpu.sync_copy(o1_v, o1_out.at[pl.ds(base, PER_W)])

    return _sc_gather


def _tc_body(emb_ref, o1_ref, w1_ref, b1_ref, g1_ref, be1_ref,
             w2_ref, b2_ref, g2_ref, be2_ref, w3_ref, b3_ref,
             w4_ref, b4_ref, out_ref):
    emb = emb_ref[...]
    o1 = jnp.sum(o1_ref[...], axis=1, keepdims=True)

    ki = lax.broadcasted_iota(jnp.int32, (FD, D), 0)
    di = lax.broadcasted_iota(jnp.int32, (FD, D), 1)
    S = (ki % D == di).astype(jnp.float32)
    sums = jnp.dot(emb, S, preferred_element_type=jnp.float32)
    sq_of_sum = jnp.sum(sums * sums, axis=1, keepdims=True)
    sum_of_sq = jnp.sum(emb * emb, axis=1, keepdims=True)
    o2 = 0.5 * (sq_of_sum - sum_of_sq)

    def bn_relu(h, g, be):
        m = jnp.mean(h, axis=0, keepdims=True)
        v = jnp.mean((h - m) * (h - m), axis=0, keepdims=True)
        return jnp.maximum((h - m) / jnp.sqrt(v + 1e-5) * g + be, 0.0)

    h = jnp.dot(emb, w1_ref[...], preferred_element_type=jnp.float32)
    h = bn_relu(h + b1_ref[...], g1_ref[...], be1_ref[...])
    h = jnp.dot(h, w2_ref[...], preferred_element_type=jnp.float32)
    h = bn_relu(h + b2_ref[...], g2_ref[...], be2_ref[...])
    h = jnp.dot(h, w3_ref[...], preferred_element_type=jnp.float32) + b3_ref[...]
    dnn = jnp.dot(h, w4_ref[...], preferred_element_type=jnp.float32) + b4_ref[...]

    out_ref[...] = o1 + o2 + dnn


_tc_call = pl.pallas_call(
    _tc_body,
    out_shape=jax.ShapeDtypeStruct((B, 1), jnp.float32),
)


def kernel(x, cat_embed, o1_fc, W1, b1, g1, be1, W2, b2, g2, be2, W3, b3,
           W4, b4):
    x3d = x.astype(jnp.int32).reshape(NW, NCH, CH)
    emb3, o1_flat = _get_sc_gather()(x3d, cat_embed, o1_fc[:, 0])
    emb = emb3.reshape(B, FD)
    o1v = o1_flat.reshape(B, F)
    return _tc_call(emb, o1v, W1.T, b1.reshape(1, -1), g1.reshape(1, -1),
                    be1.reshape(1, -1), W2.T, b2.reshape(1, -1),
                    g2.reshape(1, -1), be2.reshape(1, -1), W3.T,
                    b3.reshape(1, -1), W4.T, b4.reshape(1, -1))

# --- scband reference (transcript-rebuilt; emitter-appended) ---
"""Pipeline reference for scband-deep-fm-9663676416449 (READ-ONLY COPY).

The authoritative reference and input builder live on the scoring server;
editing this copy changes nothing except your own understanding.
"""

import jax, jax.numpy as jnp
import numpy as np

B, F, V, D = 4096, 26, 2600000, 16
MLP = [512, 256, 128]

def _bn(h, g, b):
    m = jnp.mean(h, axis=0)
    v = jnp.var(h, axis=0)
    return (h - m) / jnp.sqrt(v + 1e-5) * g + b

def setup_inputs(seed: int = 0) -> dict:
    key = jax.random.key(seed)
    ks = jax.random.split(key, 12)
    x = jax.random.randint(ks[0], (B, F), 0, V)
    cat_embed = jax.random.normal(ks[1], (V, D), dtype=jnp.float32) * 0.01
    o1_fc = jax.random.normal(ks[2], (V, 1), dtype=jnp.float32) * 0.01
    W1 = jax.random.normal(ks[3], (MLP[0], F * D), dtype=jnp.float32) * 0.05
    b1 = jnp.zeros((MLP[0],), dtype=jnp.float32)
    g1 = jnp.ones((MLP[0],), dtype=jnp.float32)
    be1 = jnp.zeros((MLP[0],), dtype=jnp.float32)
    W2 = jax.random.normal(ks[4], (MLP[1], MLP[0]), dtype=jnp.float32) * 0.05
    b2 = jnp.zeros((MLP[1],), dtype=jnp.float32)
    g2 = jnp.ones((MLP[1],), dtype=jnp.float32)
    be2 = jnp.zeros((MLP[1],), dtype=jnp.float32)
    W3 = jax.random.normal(ks[5], (MLP[2], MLP[1]), dtype=jnp.float32) * 0.05
    b3 = jnp.zeros((MLP[2],), dtype=jnp.float32)
    W4 = jax.random.normal(ks[6], (1, MLP[2]), dtype=jnp.float32) * 0.05
    b4 = jnp.zeros((1,), dtype=jnp.float32)
    return {"x": x, "cat_embed": cat_embed, "o1_fc": o1_fc, "W1": W1, "b1": b1, "g1": g1, "be1": be1, "W2": W2, "b2": b2, "g2": g2, "be2": be2, "W3": W3, "b3": b3, "W4": W4, "b4": b4}

def reference(x, cat_embed, o1_fc, W1, b1, g1, be1, W2, b2, g2, be2, W3, b3, W4, b4):
    emb = jnp.take(cat_embed, x, axis=0)          # (B, F, D)
    o1 = jnp.sum(jnp.take(o1_fc, x, axis=0), axis=1)  # (B, 1)
    square_of_sums = jnp.sum(emb, axis=1) ** 2
    sum_of_squares = jnp.sum(emb ** 2, axis=1)
    o2 = 0.5 * jnp.sum(square_of_sums - sum_of_squares, axis=1, keepdims=True)
    h = emb.reshape(x.shape[0], -1) @ W1.T + b1
    h = jax.nn.relu(_bn(h, g1, be1)) @ W2.T + b2
    h = jax.nn.relu(_bn(h, g2, be2)) @ W3.T + b3
    dnn = h @ W4.T + b4
    return o1 + o2 + dnn

if __name__ == "__main__":
    import jax
    _d = setup_inputs()
    print(jax.jit(kernel)(*tuple(_d.values())))

</pallas_src>

<mosaic_0001>
#map = affine_map<(d0, d1) -> (0, 0, 0)>
#map1 = affine_map<(d0, d1) -> (0, 0)>
#map2 = affine_map<(d0, d1) -> (0)>
module attributes {stable_mosaic.version = 14 : i64} {
  func.func @_sc_gather(%arg0: i32, %arg1: i32, %arg2: memref<32x26x128xi32, #tpu.memory_space<hbm>>, %arg3: memref<2600000x16xf32, #tpu.memory_space<hbm>>, %arg4: memref<2600000xf32, #tpu.memory_space<hbm>>, %arg5: memref<32x3328x16xf32, #tpu.memory_space<hbm>>, %arg6: memref<106496xf32, #tpu.memory_space<hbm>>, %arg7: memref<26x128xi32, #tpu.memory_space<vmem>>, %arg8: memref<3328x16xf32, #tpu.memory_space<vmem>>, %arg9: memref<3328xf32, #tpu.memory_space<vmem>>, %arg10: memref<!tpu.dma_semaphore, #tpu.memory_space<semaphore_mem>>, %arg11: memref<!tpu.dma_semaphore, #tpu.memory_space<semaphore_mem>>) attributes {dimension_semantics = [#tpu.dimension_semantics<core_parallel>, #tpu.dimension_semantics<subcore_parallel>], iteration_bounds = array<i64: 2, 16>, scalar_prefetch = 0 : i64, scratch_operands = 5 : i64, tpu.core_type = #tpu.core_type<sc_vector_subcore>, window_params = [{transform_indices = #map}, {transform_indices = #map1}, {transform_indices = #map2}, {transform_indices = #map}, {transform_indices = #map2}]} {
    %mul3A = arith.constant 2 : i32
    %mul3A_0 = arith.muli %arg1, %mul3A : i32
    %add3A = arith.addi %mul3A_0, %arg0 : i32
    %mul3A_1 = arith.constant 3328 : i32
    %mul3A_2 = arith.muli %add3A, %mul3A_1 : i32
    "tpu.region"() ({
      %run_scoped3A = tpu.sem_alloc : memref<!tpu.dma_semaphore, #tpu.memory_space<semaphore_mem>>
      %dma_start3A = arith.constant 0 : i32
      %dma_start3A_8 = arith.constant 0 : i32
      %dma_start3A_9 = tpu.memref_slice %arg2[%add3A, %dma_start3A, %dma_start3A_8] : memref<32x26x128xi32, #tpu.memory_space<hbm>> -> memref<1x26x128xi32, #tpu.memory_space<hbm>>
      %dma_start3A_10 = tpu.memref_squeeze %dma_start3A_9 : memref<1x26x128xi32, #tpu.memory_space<hbm>> -> memref<26x128xi32, #tpu.memory_space<hbm>>
      %dma_start3A_11 = arith.constant 0 : i32
      %dma_start3A_12 = arith.constant 0 : i32
      %dma_start3A_13 = tpu.memref_slice %arg2[%add3A, %dma_start3A_11, %dma_start3A_12] : memref<32x26x128xi32, #tpu.memory_space<hbm>> -> memref<1x26x128xi32, #tpu.memory_space<hbm>>
      %dma_start3A_14 = tpu.memref_squeeze %dma_start3A_13 : memref<1x26x128xi32, #tpu.memory_space<hbm>> -> memref<26x128xi32, #tpu.memory_space<hbm>>
      tpu.enqueue_dma source(%dma_start3A_14 : memref<26x128xi32, #tpu.memory_space<hbm>>) target(%arg7 : memref<26x128xi32, #tpu.memory_space<vmem>>) target_semaphore(%run_scoped3A : memref<!tpu.dma_semaphore, #tpu.memory_space<semaphore_mem>>)
      %dma_wait3A = arith.constant 0 : i32
      %dma_wait3A_15 = arith.constant 0 : i32
      %dma_wait3A_16 = tpu.memref_slice %arg2[%add3A, %dma_wait3A, %dma_wait3A_15] : memref<32x26x128xi32, #tpu.memory_space<hbm>> -> memref<1x26x128xi32, #tpu.memory_space<hbm>>
      %dma_wait3A_17 = tpu.memref_squeeze %dma_wait3A_16 : memref<1x26x128xi32, #tpu.memory_space<hbm>> -> memref<26x128xi32, #tpu.memory_space<hbm>>
      %dma_wait3A_18 = arith.constant 0 : i32
      %dma_wait3A_19 = arith.constant 0 : i32
      %dma_wait3A_20 = tpu.memref_slice %arg2[%add3A, %dma_wait3A_18, %dma_wait3A_19] : memref<32x26x128xi32, #tpu.memory_space<hbm>> -> memref<1x26x128xi32, #tpu.memory_space<hbm>>
      %dma_wait3A_21 = tpu.memref_squeeze %dma_wait3A_20 : memref<1x26x128xi32, #tpu.memory_space<hbm>> -> memref<26x128xi32, #tpu.memory_space<hbm>>
      tpu.wait_dma2 semaphore(%run_scoped3A : memref<!tpu.dma_semaphore, #tpu.memory_space<semaphore_mem>>) src(%dma_wait3A_21 : memref<26x128xi32, #tpu.memory_space<hbm>>) dst(%arg7 : memref<26x128xi32, #tpu.memory_space<vmem>>)
      tpu.yield
    }) : () -> ()
    %scan3A = arith.constant 0 : i32
    %scan3A_3 = arith.constant 0 : i32
    %scan3A_4 = arith.constant 26 : i32
    %scan3A_5 = arith.addi %scan3A_3, %scan3A_4 : i32
    %scan3A_6 = arith.constant 1 : i32
    scf.for %scan3A_8 = %scan3A_3 to %scan3A_5 step %scan3A_6  : i32 {
      %mul3A_9 = arith.constant 128 : i32
      %mul3A_10 = arith.muli %scan3A_8, %mul3A_9 : i32
      %dma_start3A = arith.constant 0 : i32
      %dma_start3A_11 = tpu.memref_slice %arg8[%mul3A_10, %dma_start3A] : memref<3328x16xf32, #tpu.memory_space<vmem>> -> memref<128x16xf32, #tpu.memory_space<vmem>>
      %dma_start3A_12 = arith.constant 0 : i32
      %dma_start3A_13 = tpu.memref_slice %arg7[%scan3A_8, %dma_start3A_12] : memref<26x128xi32, #tpu.memory_space<vmem>> -> memref<1x128xi32, #tpu.memory_space<vmem>>
      %dma_start3A_14 = tpu.memref_squeeze %dma_start3A_13 : memref<1x128xi32, #tpu.memory_space<vmem>> -> memref<128xi32, #tpu.memory_space<vmem>>
      %dma_start3A_15 = arith.constant 0 : i32
      %dma_start3A_16 = arith.constant 0 : i32
      %dma_start3A_17 = tpu.memref_slice %arg3[%dma_start3A_15, %dma_start3A_16] : memref<2600000x16xf32, #tpu.memory_space<hbm>> -> memref<2600000x16xf32, #tpu.memory_space<hbm>>
      tpu.enqueue_indirect_dma source(%dma_start3A_17 : memref<2600000x16xf32, #tpu.memory_space<hbm>>) target(%dma_start3A_11 : memref<128x16xf32, #tpu.memory_space<vmem>>) offsets(%dma_start3A_14 : memref<128xi32, #tpu.memory_space<vmem>>) semaphore(%arg10 : memref<!tpu.dma_semaphore, #tpu.memory_space<semaphore_mem>>)
      %mul3A_18 = arith.constant 128 : i32
      %mul3A_19 = arith.muli %scan3A_8, %mul3A_18 : i32
      %dma_start3A_20 = tpu.memref_slice %arg9[%mul3A_19] : memref<3328xf32, #tpu.memory_space<vmem>> -> memref<128xf32, #tpu.memory_space<vmem>>
      %dma_start3A_21 = arith.constant 0 : i32
      %dma_start3A_22 = tpu.memref_slice %arg7[%scan3A_8, %dma_start3A_21] : memref<26x128xi32, #tpu.memory_space<vmem>> -> memref<1x128xi32, #tpu.memory_space<vmem>>
      %dma_start3A_23 = tpu.memref_squeeze %dma_start3A_22 : memref<1x128xi32, #tpu.memory_space<vmem>> -> memref<128xi32, #tpu.memory_space<vmem>>
      %dma_start3A_24 = arith.constant 0 : i32
      %dma_start3A_25 = tpu.memref_slice %arg4[%dma_start3A_24] : memref<2600000xf32, #tpu.memory_space<hbm>> -> memref<2600000xf32, #tpu.memory_space<hbm>>
      tpu.enqueue_indirect_dma source(%dma_start3A_25 : memref<2600000xf32, #tpu.memory_space<hbm>>) target(%dma_start3A_20 : memref<128xf32, #tpu.memory_space<vmem>>) offsets(%dma_start3A_23 : memref<128xi32, #tpu.memory_space<vmem>>) semaphore(%arg11 : memref<!tpu.dma_semaphore, #tpu.memory_space<semaphore_mem>>)
      %dma_wait3A = arith.constant 0 : i32
      %dma_wait3A_26 = tpu.memref_slice %arg8[%mul3A_10, %dma_wait3A] : memref<3328x16xf32, #tpu.memory_space<vmem>> -> memref<128x16xf32, #tpu.memory_space<vmem>>
      %dma_wait3A_27 = arith.constant 0 : i32
      %dma_wait3A_28 = tpu.memref_slice %arg7[%scan3A_8, %dma_wait3A_27] : memref<26x128xi32, #tpu.memory_space<vmem>> -> memref<1x128xi32, #tpu.memory_space<vmem>>
      %dma_wait3A_29 = tpu.memref_squeeze %dma_wait3A_28 : memref<1x128xi32, #tpu.memory_space<vmem>> -> memref<128xi32, #tpu.memory_space<vmem>>
      %dma_wait3A_30 = arith.constant 0 : i32
      %dma_wait3A_31 = arith.constant 0 : i32
      %dma_wait3A_32 = tpu.memref_slice %arg3[%dma_wait3A_30, %dma_wait3A_31] : memref<2600000x16xf32, #tpu.memory_space<hbm>> -> memref<2600000x16xf32, #tpu.memory_space<hbm>>
      tpu.wait_indirect_dma semaphore(%arg10 : memref<!tpu.dma_semaphore, #tpu.memory_space<semaphore_mem>>) src(%dma_wait3A_32 : memref<2600000x16xf32, #tpu.memory_space<hbm>>) dst(%dma_wait3A_26 : memref<128x16xf32, #tpu.memory_space<vmem>>)
      %dma_wait3A_33 = tpu.memref_slice %arg9[%mul3A_19] : memref<3328xf32, #tpu.memory_space<vmem>> -> memref<128xf32, #tpu.memory_space<vmem>>
      %dma_wait3A_34 = arith.constant 0 : i32
      %dma_wait3A_35 = tpu.memref_slice %arg7[%scan3A_8, %dma_wait3A_34] : memref<26x128xi32, #tpu.memory_space<vmem>> -> memref<1x128xi32, #tpu.memory_space<vmem>>
      %dma_wait3A_36 = tpu.memref_squeeze %dma_wait3A_35 : memref<1x128xi32, #tpu.memory_space<vmem>> -> memref<128xi32, #tpu.memory_space<vmem>>
      %dma_wait3A_37 = arith.constant 0 : i32
      %dma_wait3A_38 = tpu.memref_slice %arg4[%dma_wait3A_37] : memref<2600000xf32, #tpu.memory_space<hbm>> -> memref<2600000xf32, #tpu.memory_space<hbm>>
      tpu.wait_indirect_dma semaphore(%arg11 : memref<!tpu.dma_semaphore, #tpu.memory_space<semaphore_mem>>) src(%dma_wait3A_38 : memref<2600000xf32, #tpu.memory_space<hbm>>) dst(%dma_wait3A_33 : memref<128xf32, #tpu.memory_space<vmem>>)
    }
    %scan3A_7 = arith.constant 26 : i32
    "tpu.region"() ({
      %run_scoped3A = tpu.sem_alloc : memref<!tpu.dma_semaphore, #tpu.memory_space<semaphore_mem>>
      %dma_start3A = arith.constant 0 : i32
      %dma_start3A_8 = arith.constant 0 : i32
      %dma_start3A_9 = tpu.memref_slice %arg5[%add3A, %dma_start3A, %dma_start3A_8] : memref<32x3328x16xf32, #tpu.memory_space<hbm>> -> memref<1x3328x16xf32, #tpu.memory_space<hbm>>
      %dma_start3A_10 = tpu.memref_squeeze %dma_start3A_9 : memref<1x3328x16xf32, #tpu.memory_space<hbm>> -> memref<3328x16xf32, #tpu.memory_space<hbm>>
      %dma_start3A_11 = arith.constant 0 : i32
      %dma_start3A_12 = arith.constant 0 : i32
      %dma_start3A_13 = tpu.memref_slice %arg5[%add3A, %dma_start3A_11, %dma_start3A_12] : memref<32x3328x16xf32, #tpu.memory_space<hbm>> -> memref<1x3328x16xf32, #tpu.memory_space<hbm>>
      %dma_start3A_14 = tpu.memref_squeeze %dma_start3A_13 : memref<1x3328x16xf32, #tpu.memory_space<hbm>> -> memref<3328x16xf32, #tpu.memory_space<hbm>>
      tpu.enqueue_dma source(%arg8 : memref<3328x16xf32, #tpu.memory_space<vmem>>) target(%dma_start3A_14 : memref<3328x16xf32, #tpu.memory_space<hbm>>) target_semaphore(%run_scoped3A : memref<!tpu.dma_semaphore, #tpu.memory_space<semaphore_mem>>)
      %dma_wait3A = arith.constant 0 : i32
      %dma_wait3A_15 = arith.constant 0 : i32
      %dma_wait3A_16 = tpu.memref_slice %arg5[%add3A, %dma_wait3A, %dma_wait3A_15] : memref<32x3328x16xf32, #tpu.memory_space<hbm>> -> memref<1x3328x16xf32, #tpu.memory_space<hbm>>
      %dma_wait3A_17 = tpu.memref_squeeze %dma_wait3A_16 : memref<1x3328x16xf32, #tpu.memory_space<hbm>> -> memref<3328x16xf32, #tpu.memory_space<hbm>>
      %dma_wait3A_18 = arith.constant 0 : i32
      %dma_wait3A_19 = arith.constant 0 : i32
      %dma_wait3A_20 = tpu.memref_slice %arg5[%add3A, %dma_wait3A_18, %dma_wait3A_19] : memref<32x3328x16xf32, #tpu.memory_space<hbm>> -> memref<1x3328x16xf32, #tpu.memory_space<hbm>>
      %dma_wait3A_21 = tpu.memref_squeeze %dma_wait3A_20 : memref<1x3328x16xf32, #tpu.memory_space<hbm>> -> memref<3328x16xf32, #tpu.memory_space<hbm>>
      tpu.wait_dma2 semaphore(%run_scoped3A : memref<!tpu.dma_semaphore, #tpu.memory_space<semaphore_mem>>) src(%arg8 : memref<3328x16xf32, #tpu.memory_space<vmem>>) dst(%dma_wait3A_21 : memref<3328x16xf32, #tpu.memory_space<hbm>>)
      tpu.yield
    }) : () -> ()
    "tpu.region"() ({
      %run_scoped3A = tpu.sem_alloc : memref<!tpu.dma_semaphore, #tpu.memory_space<semaphore_mem>>
      %dma_start3A = tpu.memref_slice %arg6[%mul3A_2] : memref<106496xf32, #tpu.memory_space<hbm>> -> memref<3328xf32, #tpu.memory_space<hbm>>
      %dma_start3A_8 = tpu.memref_slice %arg6[%mul3A_2] : memref<106496xf32, #tpu.memory_space<hbm>> -> memref<3328xf32, #tpu.memory_space<hbm>>
      tpu.enqueue_dma source(%arg9 : memref<3328xf32, #tpu.memory_space<vmem>>) target(%dma_start3A_8 : memref<3328xf32, #tpu.memory_space<hbm>>) target_semaphore(%run_scoped3A : memref<!tpu.dma_semaphore, #tpu.memory_space<semaphore_mem>>)
      %dma_wait3A = tpu.memref_slice %arg6[%mul3A_2] : memref<106496xf32, #tpu.memory_space<hbm>> -> memref<3328xf32, #tpu.memory_space<hbm>>
      %dma_wait3A_9 = tpu.memref_slice %arg6[%mul3A_2] : memref<106496xf32, #tpu.memory_space<hbm>> -> memref<3328xf32, #tpu.memory_space<hbm>>
      tpu.wait_dma2 semaphore(%run_scoped3A : memref<!tpu.dma_semaphore, #tpu.memory_space<semaphore_mem>>) src(%arg9 : memref<3328xf32, #tpu.memory_space<vmem>>) dst(%dma_wait3A_9 : memref<3328xf32, #tpu.memory_space<hbm>>)
      tpu.yield
    }) : () -> ()
    return
  }
}

module attributes {stable_mosaic.version = 14 : i64} {
  func.func @_tc_body(%arg0: memref<4096x416xf32, #tpu.memory_space<vmem>>, %arg1: memref<4096x26xf32, #tpu.memory_space<vmem>>, %arg2: memref<416x512xf32, #tpu.memory_space<vmem>>, %arg3: memref<1x512xf32, #tpu.memory_space<vmem>>, %arg4: memref<1x512xf32, #tpu.memory_space<vmem>>, %arg5: memref<1x512xf32, #tpu.memory_space<vmem>>, %arg6: memref<512x256xf32, #tpu.memory_space<vmem>>, %arg7: memref<1x256xf32, #tpu.memory_space<vmem>>, %arg8: memref<1x256xf32, #tpu.memory_space<vmem>>, %arg9: memref<1x256xf32, #tpu.memory_space<vmem>>, %arg10: memref<256x128xf32, #tpu.memory_space<vmem>>, %arg11: memref<1x128xf32, #tpu.memory_space<vmem>>, %arg12: memref<128x1xf32, #tpu.memory_space<vmem>>, %arg13: memref<1x1xf32, #tpu.memory_space<vmem>>, %arg14: memref<4096x1xf32, #tpu.memory_space<vmem>>) attributes {dimension_semantics = [], scalar_prefetch = 0 : i64, scratch_operands = 0 : i64, tpu.core_type = #tpu.core_type<tc>} {
    %get3A = arith.constant 0 : index
    %get3A_0 = arith.constant 0 : index
    %get3A_1 = vector.load %arg0[%get3A, %get3A_0] : memref<4096x416xf32, #tpu.memory_space<vmem>>, vector<4096x416xf32>
    %get3A_2 = arith.constant 0 : index
    %get3A_3 = arith.constant 0 : index
    %get3A_4 = vector.load %arg1[%get3A_2, %get3A_3] : memref<4096x26xf32, #tpu.memory_space<vmem>>, vector<4096x26xf32>
    %reduce_sum3A = arith.constant dense<0.000000e+00> : vector<4096xf32>
    %reduce_sum3A_5 = vector.multi_reduction <add>, %get3A_4, %reduce_sum3A [1] : vector<4096x26xf32> to vector<4096xf32>
    %broadcast_in_dim3A = vector.shape_cast %reduce_sum3A_5 : vector<4096xf32> to vector<4096x1xf32>
    %iota3A = tpu.iota {dimensions = array<i32: 0>} : vector<416x16xi32>
    %iota3A_6 = tpu.iota {dimensions = array<i32: 1>} : vector<416x16xi32>
    %jit3A = arith.constant 16 : i32
    %eq3A = arith.constant 0 : i32
    %eq3A_7 = arith.cmpi eq, %jit3A, %eq3A : i32
    %jit3A_8 = arith.constant 1 : i32
    %select_n3A = arith.select %eq3A_7, %jit3A_8, %jit3A : i32
    %rem3A = vector.broadcast %select_n3A : i32 to vector<416x16xi32>
    %rem3A_9 = arith.remsi %iota3A, %rem3A : vector<416x16xi32>
    %ne3A = arith.constant 0 : i32
    %ne3A_10 = vector.broadcast %ne3A : i32 to vector<416x16xi32>
    %ne3A_11 = arith.cmpi ne, %rem3A_9, %ne3A_10 : vector<416x16xi32>
    %lt3A = arith.constant 0 : i32
    %lt3A_12 = vector.broadcast %lt3A : i32 to vector<416x16xi32>
    %lt3A_13 = arith.cmpi slt, %rem3A_9, %lt3A_12 : vector<416x16xi32>
    %lt3A_14 = arith.constant 0 : i32
    %lt3A_15 = arith.cmpi slt, %select_n3A, %lt3A_14 : i32
    %ne3A_16 = vector.broadcast %lt3A_15 : i1 to vector<416x16xi1>
    %ne3A_17 = vector.broadcast %ne3A_16 : vector<416x16xi1> to vector<416x16xi1>
    %ne3A_18 = arith.xori %lt3A_13, %ne3A_17 : vector<416x16xi1>
    %and3A = arith.andi %ne3A_18, %ne3A_11 : vector<416x16xi1>
    %add3A = vector.broadcast %select_n3A : i32 to vector<416x16xi32>
    %add3A_19 = arith.addi %rem3A_9, %add3A : vector<416x16xi32>
    %select_n3A_20 = arith.select %and3A, %add3A_19, %rem3A_9 : vector<416x16xi1>, vector<416x16xi32>
    %eq3A_21 = arith.cmpi eq, %select_n3A_20, %iota3A_6 : vector<416x16xi32>
    %convert_element_type3A = arith.extui %eq3A_21 : vector<416x16xi1> to vector<416x16xi32>
    %convert_element_type3A_22 = arith.sitofp %convert_element_type3A : vector<416x16xi32> to vector<416x16xf32>
    %dot_general3A = arith.constant dense<0.000000e+00> : vector<4096x16xf32>
    %dot_general3A_23 = tpu.matmul %get3A_1, %convert_element_type3A_22, %dot_general3A {dimension_numbers = #tpu.dot_dimension_numbers<[1], [0], [0], [1], [0, 0, 1, 1], [], []>, transpose_lhs_hint = false} : vector<4096x416xf32>, vector<416x16xf32>, vector<4096x16xf32> -> vector<4096x16xf32>
    %mul3A = arith.mulf %dot_general3A_23, %dot_general3A_23 : vector<4096x16xf32>
    %reduce_sum3A_24 = arith.constant dense<0.000000e+00> : vector<4096xf32>
    %reduce_sum3A_25 = vector.multi_reduction <add>, %mul3A, %reduce_sum3A_24 [1] : vector<4096x16xf32> to vector<4096xf32>
    %broadcast_in_dim3A_26 = vector.shape_cast %reduce_sum3A_25 : vector<4096xf32> to vector<4096x1xf32>
    %mul3A_27 = arith.mulf %get3A_1, %get3A_1 : vector<4096x416xf32>
    %reduce_sum3A_28 = arith.constant dense<0.000000e+00> : vector<4096xf32>
    %reduce_sum3A_29 = vector.multi_reduction <add>, %mul3A_27, %reduce_sum3A_28 [1] : vector<4096x416xf32> to vector<4096xf32>
    %broadcast_in_dim3A_30 = vector.shape_cast %reduce_sum3A_29 : vector<4096xf32> to vector<4096x1xf32>
    %sub3A = arith.subf %broadcast_in_dim3A_26, %broadcast_in_dim3A_30 : vector<4096x1xf32>
    %mul3A_31 = arith.constant 5.000000e-01 : f32
    %mul3A_32 = vector.broadcast %mul3A_31 : f32 to vector<4096x1xf32>
    %mul3A_33 = arith.mulf %mul3A_32, %sub3A : vector<4096x1xf32>
    %get3A_34 = arith.constant 0 : index
    %get3A_35 = arith.constant 0 : index
    %get3A_36 = vector.load %arg2[%get3A_34, %get3A_35] : memref<416x512xf32, #tpu.memory_space<vmem>>, vector<416x512xf32>
    %dot_general3A_37 = arith.constant dense<0.000000e+00> : vector<4096x512xf32>
    %dot_general3A_38 = tpu.matmul %get3A_1, %get3A_36, %dot_general3A_37 {dimension_numbers = #tpu.dot_dimension_numbers<[1], [0], [0], [1], [0, 0, 1, 1], [], []>, transpose_lhs_hint = false} : vector<4096x416xf32>, vector<416x512xf32>, vector<4096x512xf32> -> vector<4096x512xf32>
    %get3A_39 = arith.constant 0 : index
    %get3A_40 = arith.constant 0 : index
    %get3A_41 = vector.load %arg3[%get3A_39, %get3A_40] : memref<1x512xf32, #tpu.memory_space<vmem>>, vector<1x512xf32>
    %add3A_42 = vector.broadcast %get3A_41 : vector<1x512xf32> to vector<4096x512xf32>
    %add3A_43 = arith.addf %dot_general3A_38, %add3A_42 : vector<4096x512xf32>
    %get3A_44 = arith.constant 0 : index
    %get3A_45 = arith.constant 0 : index
    %get3A_46 = vector.load %arg4[%get3A_44, %get3A_45] : memref<1x512xf32, #tpu.memory_space<vmem>>, vector<1x512xf32>
    %get3A_47 = arith.constant 0 : index
    %get3A_48 = arith.constant 0 : index
    %get3A_49 = vector.load %arg5[%get3A_47, %get3A_48] : memref<1x512xf32, #tpu.memory_space<vmem>>, vector<1x512xf32>
    %reduce_sum3A_50 = arith.constant dense<0.000000e+00> : vector<512xf32>
    %reduce_sum3A_51 = vector.multi_reduction <add>, %add3A_43, %reduce_sum3A_50 [0] : vector<4096x512xf32> to vector<512xf32>
    %broadcast_in_dim3A_52 = vector.shape_cast %reduce_sum3A_51 : vector<512xf32> to vector<1x512xf32>
    %div3A = arith.constant 4.096000e+03 : f32
    %div3A_53 = vector.broadcast %div3A : f32 to vector<1x512xf32>
    %div3A_54 = arith.divf %broadcast_in_dim3A_52, %div3A_53 : vector<1x512xf32>
    %sub3A_55 = vector.broadcast %div3A_54 : vector<1x512xf32> to vector<4096x512xf32>
    %sub3A_56 = arith.subf %add3A_43, %sub3A_55 : vector<4096x512xf32>
    %sub3A_57 = vector.broadcast %div3A_54 : vector<1x512xf32> to vector<4096x512xf32>
    %sub3A_58 = arith.subf %add3A_43, %sub3A_57 : vector<4096x512xf32>
    %mul3A_59 = arith.mulf %sub3A_56, %sub3A_58 : vector<4096x512xf32>
    %reduce_sum3A_60 = arith.constant dense<0.000000e+00> : vector<512xf32>
    %reduce_sum3A_61 = vector.multi_reduction <add>, %mul3A_59, %reduce_sum3A_60 [0] : vector<4096x512xf32> to vector<512xf32>
    %broadcast_in_dim3A_62 = vector.shape_cast %reduce_sum3A_61 : vector<512xf32> to vector<1x512xf32>
    %div3A_63 = arith.constant 4.096000e+03 : f32
    %div3A_64 = vector.broadcast %div3A_63 : f32 to vector<1x512xf32>
    %div3A_65 = arith.divf %broadcast_in_dim3A_62, %div3A_64 : vector<1x512xf32>
    %sub3A_66 = vector.broadcast %div3A_54 : vector<1x512xf32> to vector<4096x512xf32>
    %sub3A_67 = arith.subf %add3A_43, %sub3A_66 : vector<4096x512xf32>
    %add3A_68 = arith.constant 9.99999974E-6 : f32
    %add3A_69 = vector.broadcast %add3A_68 : f32 to vector<1x512xf32>
    %add3A_70 = arith.addf %div3A_65, %add3A_69 : vector<1x512xf32>
    %sqrt3A = math.sqrt %add3A_70 : vector<1x512xf32>
    %div3A_71 = vector.broadcast %sqrt3A : vector<1x512xf32> to vector<4096x512xf32>
    %div3A_72 = arith.divf %sub3A_67, %div3A_71 : vector<4096x512xf32>
    %mul3A_73 = vector.broadcast %get3A_46 : vector<1x512xf32> to vector<4096x512xf32>
    %mul3A_74 = arith.mulf %div3A_72, %mul3A_73 : vector<4096x512xf32>
    %add3A_75 = vector.broadcast %get3A_49 : vector<1x512xf32> to vector<4096x512xf32>
    %add3A_76 = arith.addf %mul3A_74, %add3A_75 : vector<4096x512xf32>
    %max3A = arith.constant 0.000000e+00 : f32
    %max3A_77 = vector.broadcast %max3A : f32 to vector<4096x512xf32>
    %max3A_78 = arith.maximumf %add3A_76, %max3A_77 : vector<4096x512xf32>
    %get3A_79 = arith.constant 0 : index
    %get3A_80 = arith.constant 0 : index
    %get3A_81 = vector.load %arg6[%get3A_79, %get3A_80] : memref<512x256xf32, #tpu.memory_space<vmem>>, vector<512x256xf32>
    %dot_general3A_82 = arith.constant dense<0.000000e+00> : vector<4096x256xf32>
    %dot_general3A_83 = tpu.matmul %max3A_78, %get3A_81, %dot_general3A_82 {dimension_numbers = #tpu.dot_dimension_numbers<[1], [0], [0], [1], [0, 0, 1, 1], [], []>, transpose_lhs_hint = false} : vector<4096x512xf32>, vector<512x256xf32>, vector<4096x256xf32> -> vector<4096x256xf32>
    %get3A_84 = arith.constant 0 : index
    %get3A_85 = arith.constant 0 : index
    %get3A_86 = vector.load %arg7[%get3A_84, %get3A_85] : memref<1x256xf32, #tpu.memory_space<vmem>>, vector<1x256xf32>
    %add3A_87 = vector.broadcast %get3A_86 : vector<1x256xf32> to vector<4096x256xf32>
    %add3A_88 = arith.addf %dot_general3A_83, %add3A_87 : vector<4096x256xf32>
    %get3A_89 = arith.constant 0 : index
    %get3A_90 = arith.constant 0 : index
    %get3A_91 = vector.load %arg8[%get3A_89, %get3A_90] : memref<1x256xf32, #tpu.memory_space<vmem>>, vector<1x256xf32>
    %get3A_92 = arith.constant 0 : index
    %get3A_93 = arith.constant 0 : index
    %get3A_94 = vector.load %arg9[%get3A_92, %get3A_93] : memref<1x256xf32, #tpu.memory_space<vmem>>, vector<1x256xf32>
    %reduce_sum3A_95 = arith.constant dense<0.000000e+00> : vector<256xf32>
    %reduce_sum3A_96 = vector.multi_reduction <add>, %add3A_88, %reduce_sum3A_95 [0] : vector<4096x256xf32> to vector<256xf32>
    %broadcast_in_dim3A_97 = vector.shape_cast %reduce_sum3A_96 : vector<256xf32> to vector<1x256xf32>
    %div3A_98 = arith.constant 4.096000e+03 : f32
    %div3A_99 = vector.broadcast %div3A_98 : f32 to vector<1x256xf32>
    %div3A_100 = arith.divf %broadcast_in_dim3A_97, %div3A_99 : vector<1x256xf32>
    %sub3A_101 = vector.broadcast %div3A_100 : vector<1x256xf32> to vector<4096x256xf32>
    %sub3A_102 = arith.subf %add3A_88, %sub3A_101 : vector<4096x256xf32>
    %sub3A_103 = vector.broadcast %div3A_100 : vector<1x256xf32> to vector<4096x256xf32>
    %sub3A_104 = arith.subf %add3A_88, %sub3A_103 : vector<4096x256xf32>
    %mul3A_105 = arith.mulf %sub3A_102, %sub3A_104 : vector<4096x256xf32>
    %reduce_sum3A_106 = arith.constant dense<0.000000e+00> : vector<256xf32>
    %reduce_sum3A_107 = vector.multi_reduction <add>, %mul3A_105, %reduce_sum3A_106 [0] : vector<4096x256xf32> to vector<256xf32>
    %broadcast_in_dim3A_108 = vector.shape_cast %reduce_sum3A_107 : vector<256xf32> to vector<1x256xf32>
    %div3A_109 = arith.constant 4.096000e+03 : f32
    %div3A_110 = vector.broadcast %div3A_109 : f32 to vector<1x256xf32>
    %div3A_111 = arith.divf %broadcast_in_dim3A_108, %div3A_110 : vector<1x256xf32>
    %sub3A_112 = vector.broadcast %div3A_100 : vector<1x256xf32> to vector<4096x256xf32>
    %sub3A_113 = arith.subf %add3A_88, %sub3A_112 : vector<4096x256xf32>
    %add3A_114 = arith.constant 9.99999974E-6 : f32
    %add3A_115 = vector.broadcast %add3A_114 : f32 to vector<1x256xf32>
    %add3A_116 = arith.addf %div3A_111, %add3A_115 : vector<1x256xf32>
    %sqrt3A_117 = math.sqrt %add3A_116 : vector<1x256xf32>
    %div3A_118 = vector.broadcast %sqrt3A_117 : vector<1x256xf32> to vector<4096x256xf32>
    %div3A_119 = arith.divf %sub3A_113, %div3A_118 : vector<4096x256xf32>
    %mul3A_120 = vector.broadcast %get3A_91 : vector<1x256xf32> to vector<4096x256xf32>
    %mul3A_121 = arith.mulf %div3A_119, %mul3A_120 : vector<4096x256xf32>
    %add3A_122 = vector.broadcast %get3A_94 : vector<1x256xf32> to vector<4096x256xf32>
    %add3A_123 = arith.addf %mul3A_121, %add3A_122 : vector<4096x256xf32>
    %max3A_124 = arith.constant 0.000000e+00 : f32
    %max3A_125 = vector.broadcast %max3A_124 : f32 to vector<4096x256xf32>
    %max3A_126 = arith.maximumf %add3A_123, %max3A_125 : vector<4096x256xf32>
    %get3A_127 = arith.constant 0 : index
    %get3A_128 = arith.constant 0 : index
    %get3A_129 = vector.load %arg10[%get3A_127, %get3A_128] : memref<256x128xf32, #tpu.memory_space<vmem>>, vector<256x128xf32>
    %dot_general3A_130 = arith.constant dense<0.000000e+00> : vector<4096x128xf32>
    %dot_general3A_131 = tpu.matmul %max3A_126, %get3A_129, %dot_general3A_130 {dimension_numbers = #tpu.dot_dimension_numbers<[1], [0], [0], [1], [0, 0, 1, 1], [], []>, transpose_lhs_hint = false} : vector<4096x256xf32>, vector<256x128xf32>, vector<4096x128xf32> -> vector<4096x128xf32>
    %get3A_132 = arith.constant 0 : index
    %get3A_133 = arith.constant 0 : index
    %get3A_134 = vector.load %arg11[%get3A_132, %get3A_133] : memref<1x128xf32, #tpu.memory_space<vmem>>, vector<1x128xf32>
    %add3A_135 = vector.broadcast %get3A_134 : vector<1x128xf32> to vector<4096x128xf32>
    %add3A_136 = arith.addf %dot_general3A_131, %add3A_135 : vector<4096x128xf32>
    %get3A_137 = arith.constant 0 : index
    %get3A_138 = arith.constant 0 : index
    %get3A_139 = vector.load %arg12[%get3A_137, %get3A_138] : memref<128x1xf32, #tpu.memory_space<vmem>>, vector<128x1xf32>
    %dot_general3A_140 = arith.constant dense<0.000000e+00> : vector<4096x1xf32>
    %dot_general3A_141 = tpu.matmul %add3A_136, %get3A_139, %dot_general3A_140 {dimension_numbers = #tpu.dot_dimension_numbers<[1], [0], [0], [1], [0, 0, 1, 1], [], []>, transpose_lhs_hint = false} : vector<4096x128xf32>, vector<128x1xf32>, vector<4096x1xf32> -> vector<4096x1xf32>
    %get3A_142 = arith.constant 0 : index
    %get3A_143 = arith.constant 0 : index
    %get3A_144 = vector.load %arg13[%get3A_142, %get3A_143] : memref<1x1xf32, #tpu.memory_space<vmem>>, vector<1x1xf32>
    %add3A_145 = vector.broadcast %get3A_144 : vector<1x1xf32> to vector<4096x1xf32>
    %add3A_146 = arith.addf %dot_general3A_141, %add3A_145 : vector<4096x1xf32>
    %add3A_147 = arith.addf %broadcast_in_dim3A, %mul3A_33 : vector<4096x1xf32>
    %add3A_148 = arith.addf %add3A_147, %add3A_146 : vector<4096x1xf32>
    %swap3A = arith.constant 0 : index
    %swap3A_149 = arith.constant 0 : index
    %swap3A_150 = vector.load %arg14[%swap3A, %swap3A_149] : memref<4096x1xf32, #tpu.memory_space<vmem>>, vector<4096x1xf32>
    tpu.vector_store %arg14[%swap3A, %swap3A_149], %add3A_148 {strides = array<i32>} : memref<4096x1xf32, #tpu.memory_space<vmem>>, vector<4096x1xf32>,
    return
  }
}

</mosaic_0001>

<sc_bundles>
// kernel: kernel.4.cloned.1.call-start
scs
__scs_entry_jumppad:
0x0: {  	(pc) =	sbr.rel $0x88, $3  }
0x1: {  	(tag) =	ssettag $0x0;
	lr =	simm.s32 $0x1  }
0x2: {  	[smem:$0x3F92] =	sst lr;
	_ =	strace $0xD0000000  }
0x3: {  	_ = 	snop  }
0x4: {  	_ = 	snop  }
0x5: {  	_ = 	snop  }
0x6: {  	_ = 	snop  }
0x7: {  	_ = 	snop  }
__scs_overlays_trampoline_lowered:
0x8: {  	[smem:$0x3FA1] =	sst s0  }
0x9: {  	[smem:$0x3FA2] =	sst s1  }
0xa: {  	[smem:$0x3FA3] =	sst s2  }
0xb: {  	[smem:$0x3FA4] =	sst s3  }
0xc: {  	[smem:$0x3FA5] =	sst s4  }
0xd: {  	[smem:$0x3FA6] =	sst s5  }
0xe: {  	[smem:$0x3FA7] =	sst s6  }
0xf: {  	[smem:$0x3FA8] =	sst s7  }
0x10: {  	[smem:$0x3FA9] =	sst s8  }
0x11: {  	[smem:$0x3FAA] =	sst s9;
	s0 =	simm.s32 @!p0 $0x0  }
0x12: {  	s1 =	sld [smem:$0x3F90];
	s0 =	simm.s32 @p0 $0x1  }
0x13: {  	[smem:$0x3FAB] =	sst s0;
	s0 =	simm.s32 @!p1 $0x0  }
0x14: {  	s2 =	sld [smem:$0x3F8F];
	s0 =	simm.s32 @p1 $0x1  }
0x15: {  	[smem:$0x3FAC] =	sst s0;
	s0 =	simm.s32 @!p2 $0x0  }
0x16: {  	s3 =	sld [smem:$0x3FDB];
	s0 =	simm.s32 @p2 $0x1  }
0x17: {  	s4 =	simm.s32 $0x1BF5;
	[smem:$0x3FAE] =	sst s0  }
0x18: {  	s0 =	sld [smem:$0x3F91];
	_ =	swait.ge [sflag:s4], $0x0  }
0x19: {  	s7 =	sld [smem:$0x3F92]  }
0x1a: {  	s8 =	sadd.s32 $0xFFFFE003, lr  }
0x1b: {  	s9 =	sadd.s32 $0xFFFFFEF7, lr;
	s5 =	simm.s32 $0xFFFFFFFF;
	p2 =	slt.u32 s8, $0xFFFFF086  }
0x1c: {  	p1 =	slt.u32 s9, $0xF7A;
	s5 =	simm.s32 @!p2 $0x0  }
0x1d: {  	s5 =	simm.s32 @p1 $0x1;
	p0 =	seq.s32 s7, s2  }
0x1e: {  	s7 =	smul.u32 @!p0 $0xF7A, s2;
	p2 =	seq.s32 @!p0 s5, $0x0  }
0x1f: {  	s9 =	smul.u32 $0xF7A, s1;
	s8 =	simm.s32 @!p0 $0x1BF5;
	p2 =	por !p2, p0  }
0x20: {  	[sflag:s8] =	ssyncset.s32 @!p0 $0xFFFFF086;
	s6 =	sadd.s32 @!p0 s3, s7;
	s7 =	simm.s32 @!p0 $0x108  }
0x21: {  	s3 =	sadd.s32 s3, s9;
	s6 =	sadd.s32 @!p0 $0x88, s6;
	s7 =	simm.s32 @p2 $0x1082  }
0x22: {  	[simem:s7], [sflag:s8] =	dma.local @!p0 [hbm:s6], $0xF7A  }
0x23: {  	s9 =	sor.u32 $0xD0000000, s2;
	s6 =	simm.s32 $0x108;
	_ =	swait.ge @!p0 [sflag:s8], $0x0  }
0x24: {  	s3 =	sadd.s32 $0x88, s3;
	s6 =	simm.s32 @!p1 $0x1082;
	[sflag:s4] =	ssyncset.s32 $0xFFFFF086  }
0x25: {  	[simem:s6], [sflag:s4] =	dma.local [hbm:s3], $0xF7A  }
0x26: {  	[smem:$0x3F92] =	sst s1;
	(tag) =	ssettag s2;
	_ =	strace s9  }
0x27: {  	s1 =	sld [smem:$0x3FA2]  }
0x28: {  	s2 =	sld [smem:$0x3FA3]  }
0x29: {  	s4 =	sld [smem:$0x3FA5]  }
0x2a: {  	p0 =	seq.s32 s5, $0x0;
	s5 =	sld [smem:$0x3FA6]  }
0x2b: {  	s6 =	sld [smem:$0x3FA7]  }
0x2c: {  	s7 =	sld [smem:$0x3FA8]  }
0x2d: {  	s3 =	simm.s32 $0x108;
	s8 =	sld [smem:$0x3FA9]  }
0x2e: {  	s3 =	simm.s32 @!p0 $0x1082;
	s9 =	sld [smem:$0x3FAA]  }
0x2f: {  	lr =	sadd.s32 s0, s3;
	s0 =	sld [smem:$0x3FA1]  }
0x30: {  	s3 =	sld [smem:$0x3FA4]  }
0x31: {  	[smem:$0x3FAD] =	sst s10  }
0x32: {  	s10 =	sld [smem:$0x3FAB];
	_ =	sdelay $0x3  }
0x33: {  	p0 =	seq.s32 s10, $0x1;
	s10 =	sld [smem:$0x3FAD];
	_ =	sdelay $0x3  }
0x34: {  	[smem:$0x3FAD] =	sst s10  }
0x35: {  	s10 =	sld [smem:$0x3FAC];
	_ =	sdelay $0x3  }
0x36: {  	p1 =	seq.s32 s10, $0x1;
	s10 =	sld [smem:$0x3FAD];
	_ =	sdelay $0x3  }
0x37: {  	[smem:$0x3FAD] =	sst s10  }
0x38: {  	s10 =	sld [smem:$0x3FAE]  }
0x39: {  	_ = 	snop;
	(pc) =	sbr.ind lr, $3  }
0x3a: {  	_ = 	snop  }
0x3b: {  	_ = 	snop  }
0x3c: {  	p2 =	seq.s32 s10, $0x1;
	s10 =	sld [smem:$0x3FAD]  }
0x3d: {  	_ =	shalt  }
0x3e: {  	_ =	shalt  }
0x3f: {  	_ =	shalt  }
0x40: {  	_ =	shalt  }
0x41: {  	_ =	shalt  }
0x42: {  	_ =	shalt  }
0x43: {  	_ =	shalt  }
0x44: {  	_ =	shalt  }
0x45: {  	_ =	shalt  }
0x46: {  	_ =	shalt  }
0x47: {  	_ =	shalt  }
0x48: {  	_ =	shalt  }
0x49: {  	_ =	shalt  }
0x4a: {  	_ =	shalt  }
0x4b: {  	_ =	shalt  }
0x4c: {  	_ =	shalt  }
0x4d: {  	_ =	shalt  }
0x4e: {  	_ =	shalt  }
0x4f: {  	_ =	shalt  }
0x50: {  	_ =	shalt  }
0x51: {  	_ =	shalt  }
0x52: {  	_ =	shalt  }
0x53: {  	_ =	shalt  }
0x54: {  	_ =	shalt  }
0x55: {  	_ =	shalt  }
0x56: {  	_ =	shalt  }
0x57: {  	_ =	shalt  }
0x58: {  	_ =	shalt  }
0x59: {  	_ =	shalt  }
0x5a: {  	_ =	shalt  }
0x5b: {  	_ =	shalt  }
0x5c: {  	_ =	shalt  }
0x5d: {  	_ =	shalt  }
0x5e: {  	_ =	shalt  }
0x5f: {  	_ =	shalt  }
0x60: {  	_ =	shalt  }
0x61: {  	_ =	shalt  }
0x62: {  	_ =	shalt  }
0x63: {  	_ =	shalt  }
0x64: {  	_ =	shalt  }
0x65: {  	_ =	shalt  }
0x66: {  	_ =	shalt  }
0x67: {  	_ =	shalt  }
0x68: {  	_ =	shalt  }
0x69: {  	_ =	shalt  }
0x6a: {  	_ =	shalt  }
0x6b: {  	_ =	shalt  }
0x6c: {  	_ =	shalt  }
0x6d: {  	_ =	shalt  }
0x6e: {  	_ =	shalt  }
0x6f: {  	_ =	shalt  }
0x70: {  	_ =	shalt  }
0x71: {  	_ =	shalt  }
0x72: {  	_ =	shalt  }
0x73: {  	_ =	shalt  }
0x74: {  	_ =	shalt  }
0x75: {  	_ =	shalt  }
0x76: {  	_ =	shalt  }
0x77: {  	_ =	shalt  }
0x78: {  	_ =	shalt  }
0x79: {  	_ =	shalt  }
0x7a: {  	_ =	shalt  }
0x7b: {  	_ =	shalt  }
0x7c: {  	_ =	shalt  }
0x7d: {  	_ =	shalt  }
0x7e: {  	_ =	shalt  }
0x7f: {  	_ =	shalt  }
0x80: {  	_ =	shalt  }
0x81: {  	_ =	shalt  }
0x82: {  	_ =	shalt  }
0x83: {  	_ =	shalt  }
0x84: {  	_ =	shalt  }
0x85: {  	_ =	shalt  }
0x86: {  	_ =	shalt  }
0x87: {  	_ =	shalt  }
.Lfunc_end0:
.L_simem_size_0:
called_computation_lowered:
.L_overlay_start_0:
0x88: {  	s2 =	sld [smem:$0x3FD9]  }
0x89: {  	s3 =	sld [smem:$0x3FFE];
	_ =	sdelay $0x1  }
0x8a: {  	s1 =	srdreg.scid  }
0x8b: {  	s0 =	sand.u32 $0x1, s1  }
0x8c: {  	s16 =	sshll.u32 s0, $0xA;
	s2 =	sadd.s32 s3, s2  }
0x8d: {  	s2 =	sadd.s32 s2, s16  }
0x8e: {  	[smem:$0x3FB9] =	sst s2  }
0x8f: {  	_ = 	snop  }
0x90: {  	(tm) =	ssettm $0x1  }
0x91: {  	s17 =	sld [smem:$0x3FFB];
	_ =	sdelay $0x3  }
0x92: {  	_ =	strace s17  }
0x93: {  	s2 =	sld [smem:$0x3FFC];
	_ =	sdelay $0x3  }
0x94: {  	_ =	strace s2  }
0x95: {  	s2 =	sld [smem:$0x3FFD];
	_ =	sdelay $0x3  }
0x96: {  	_ =	strace s2  }
0x97: {  	_ =	strace $0x8FFFFFFF  }
0x98: {  	s18 =	sld [smem:$0x3FDB];
	_ =	sdelay $0x1  }
0x99: {  	s19 =	simm.s32 $_scs_section_size  }
0x9a: {  	s4 =	simm.s32 $_size__tile_overlayer_lowered;
	s5 =	simm.s32 $_tile_overlayer_lowered  }
0x9b: {  	s22 =	simm.s32 $0x1BFF;
	s21 =	sshll.u32 s5, $0x1;
	s2 =	sadd.s32 s19, s18  }
0x9c: {  	s6 =	simm.s32 $0x0;
	s20 =	sshll.u32 s4, $0x1;
	s4 =	sadd.s32 s21, s2  }
0x9d: {  	[timem:s6], [sflag:s22] =	dma.local [hbm:s4], s20  }
0x9e: {  	_ =	swait.ge [sflag:s22], s20  }
0x9f: {  	s3 =	ssub.s32 $0x0, s20;
	[sflag:s22] =	ssyncset.done $0x0  }
0xa0: {  	[sflag:s22] =	ssyncadd.s32 s3;
	_ =	sdelay $0x1  }
0xa1: {  	s23 =	simm.s32 $0x1B8B  }
0xa2: {  	_ =	swait.ge [sflag:s23], $0x1  }
0xa3: {  	[sflag:s23] =	ssyncset.done $0x0  }
0xa4: {  	s25 =	simm.s32 $0x1B8E;
	s24 =	sld [smem:$0x3FFE];
	[sflag:s23] =	ssyncadd.s32 $0xFFFFFFFF  }
0xa5: {  	s26 =	simm.s32 $execute0_lowered;
	[smem:$0x3FD2] =	sst s25  }
0xa6: {  	s4 =	sshll.u32 s26, $0x1;
	_ =	strace $0x80000046;
	[dreg:$0x1] =	wrdreg $0xFFFFFFFF  }
0xa7: {  	s28 =	simm.s32 $_size_execute0_lowered;
	s2 =	sadd.s32 s2, s4;
	[dreg:$0x0] =	wrdreg $0x0  }
0xa8: {  	s4 =	sshll.u32 s28, $0x1;
	[dreg:$0x2] =	wrdreg s2  }
0xa9: {  	[dreg:$0x3] =	wrdreg s4  }
0xaa: {  	[dreg:$0x4] =	wrdreg $0xC0  }
0xab: {  	_ =	task [dreg:s6], $0x5FFFF  }
0xac: {  	[dreg:$0x1] =	wrdreg $0xFFFFFFFF  }
0xad: {  	[dreg:$0x0] =	wrdreg $0x60  }
0xae: {  	[dreg:$0x2] =	wrdreg s24  }
0xaf: {  	[dreg:$0x3] =	wrdreg $0x9  }
0xb0: {  	_ =	task.clear_ibuf [dreg:s6], $0x4FFFF;
	_ =	strace $0x90000046  }
0xb1: {  	s29 =	simm.s32 $0x9;
	_ =	strace $0x80000048  }
0xb2: {  	_ =	swait.ge [sflag:s29], $0x1  }
0xb3: {  	[sflag:s29] =	ssyncadd.s32 $0xFFFFFFFF  }
0xb4: {  	_ =	strace $0x90000048  }
0xb5: {  	_ =	sfence  }
0xb6: {  	s30 =	sld [smem:$0x0];
	_ =	sdelay $0x2  }
0xb7: {  	s31 =	sshll.u32 s1, $0xD;
	s1 =	sshrl.u32 s1, $0x2  }
0xb8: {  	s3 =	sand.u32 $0x4000, s31;
	s1 =	sadd.s32 s1, s30  }
0xb9: {  	s0 =	sor.u32 s3, s0;
	s1 =	sshll.u32 s1, $0x11  }
0xba: {  	s0 =	sor.u32 s1, s0  }
0xbb: {  	s0 =	sadd.s32 $0x8F2B, s0  }
0xbc: {  	[sflag:s0] =	ssyncadd.remote.s32 $0x1  }
0xbd: {  	_ =	sfence.sel $0xFFFF  }
0xbe: {  	[dreg:$0x0] =	wrdreg $0xFFFFFFFF;
	(pc) =	sbr.abs _section_cstart, $3  }
0xbf: {  	[dreg:$0x1] =	wrdreg $0xFFFFFFFF  }
0xc0: {  	_ =	task.clear_ibuf [dreg:s6], $0x2FFFF;
	_ =	strace $0x9FFFFFFF  }
0xc1: {  	(tm) =	ssettm $0x7FFFFFFF  }
tec
execute0_lowered:
.L_overlay_start_1:
0x0: {  	(tag) =	ssettag $0x1  }
0x1: {  	s1 =	srdreg.scid  }
0x2: {  	s0 =	stileid.u32;
	s5 =	rddreg [dreg:$0x0]  }
0x3: {  	s2 =	simm.s32 $0x0;
	s10 =	simm.s32 $0x80;
	s11 =	simm.s32 $0x1  }
0x4: {  	s12 =	simm.s32 $0x2;
	s6 =	sand.u32 $0x1, s1;
	s3 =	sshll.u32 s0, $0x1  }
0x5: {  	s13 =	simm.s32 $0xD00;
	s14 =	simm.s32 $0xDD00;
	s3 =	sor.u32 s6, s3  }
0x6: {  	s15 =	simm.s32 $0x0;
	s1 =	rddreg [dreg:$0x1];
	s7 =	smul.u32 $0x1A00, s3  }
0x7: {  	[smem:$0x7FF] =	sst s2;
	s4 =	sadd.s32 $0x5200, s5;
	s8 =	smul.u32 $0x1A0, s3  }
0x8: {  	_ =	strace $0x80000047;
	s6 =	ssub.s32 $0x2, s6;
	s3 =	sadd.s32 $0x27AE200, s5  }
0x9: {  	s31 =	sshrl.u32 s6, $0x1;
	s7 =	sadd.s32 s7, s5;
	s8 =	sadd.s32 s8, s5  }
0xa: {  	s9 =	ssub.s32 s6, s31;
	s5 =	sadd.s32 $0x1E00, s8;
	s6 =	sadd.s32 $0x54800, s7  }
0xb: {  	s7 =	sadd.s32 $0x88800, s8;
	s8 =	smax.u32 s9, $0x1;
	s9 =	simm.s32 $0x3  }
.LBB2_1:
0xc: {  	[tilespmem:s2], [sflag:$0x3] =	stream.linear.gather [hbm4b:s5+s2], $0xD00, $0x38;
	[tilespmem:$0xEA00] =	vst v63  }
0xd: {  	_ =	swait.ge [sflag:s9], $0xD00  }
0xe: {  	[sflag:s9] =	ssyncset.done $0x0  }
0xf: {  	s16 =	simm.s32 $0x0;
	[sflag:s9] =	ssyncadd.s32 $0xFFFFF300  }
0x10: {  	[tilespmem:s13], [sflag:$0x1] =	stream.indirect.gather [hbm4b:s3+s10], $0x10, s16, s10, $0xb8;
	[tilespmem:$0xEA00] =	vst v63  }
0x11: {  	s17 =	simm.s32 $0xDD00  }
0x12: {  	[tilespmem:s17], [sflag:$0x2] =	stream.indirect.gather [hbm4b:s4+s10], $0x1, s16, s10, $0xb8;
	[tilespmem:$0xEA00] =	vst v63  }
0x13: {  	_ =	swait.ge [sflag:s11], $0x800  }
0x14: {  	[sflag:s11] =	ssyncset.done $0x0  }
0x15: {  	[sflag:s11] =	ssyncadd.s32 $0xFFFFF800  }
0x16: {  	s18 =	simm.s32 $0x400;
	_ =	swait.ge [sflag:s12], $0x80  }
0x17: {  	s16 =	simm.s32 $0x200;
	s17 =	simm.s32 $0x1500;
	[sflag:s12] =	ssyncset.done $0x0  }
.LBB2_2:
0x18: {  	s19 =	sshra.s32 s16, $0x2  }
0x19: {  	[sflag:s12] =	ssyncadd.s32 $0xFFFFFF80;
	s16 =	smov.u32 s18;
	s20 =	sadd.s32 $0x200, s18  }
0x1a: {  	[tilespmem:s17], [sflag:$0x1] =	stream.indirect.gather [hbm4b:s3+s10], $0x10, s19, s10, $0xb8;
	[tilespmem:$0xEA00] =	vst v63  }
0x1b: {  	p0 =	sne.s32 s18, $0x3200;
	s18 =	sadd.s32 $0xDD00, s19  }
0x1c: {  	[tilespmem:s18], [sflag:$0x2] =	stream.indirect.gather [hbm4b:s4+s10], $0x1, s19, s10, $0xb8;
	[tilespmem:$0xEA00] =	vst v63  }
.Ltmp0:
0x1d: {  	_ =	swait.ge [sflag:s11], $0x800;
	(pc) =	sbr.rel @p0 .LBB2_2-.Ltmp0, $4  }
0x1e: {  	[sflag:s11] =	ssyncset.done $0x0  }
0x1f: {  	[sflag:s11] =	ssyncadd.s32 $0xFFFFF800  }
0x20: {  	_ =	swait.ge [sflag:s12], $0x80  }
0x21: {  	s17 =	sadd.s32 $0x800, s17;
	s18 =	smov.u32 s20;
	[sflag:s12] =	ssyncset.done $0x0  }
0x22: {  	s16 =	sshra.s32 s16, $0x2;
	[sflag:s12] =	ssyncadd.s32 $0xFFFFFF80  }
0x23: {  	[tilespmem:s17], [sflag:$0x1] =	stream.indirect.gather [hbm4b:s3+s10], $0x10, s16, s10, $0xb8;
	[tilespmem:$0xEA00] =	vst v63  }
0x24: {  	s31 =	sadd.s32 $0xDD00, s16  }
0x25: {  	[tilespmem:s31], [sflag:$0x2] =	stream.indirect.gather [hbm4b:s4+s10], $0x1, s16, s10, $0xb8;
	[tilespmem:$0xEA00] =	vst v63  }
0x26: {  	_ =	swait.ge [sflag:s11], $0x800  }
0x27: {  	[sflag:s11] =	ssyncset.done $0x0  }
0x28: {  	[sflag:s11] =	ssyncadd.s32 $0xFFFFF800  }
0x29: {  	_ =	swait.ge [sflag:s12], $0x80  }
0x2a: {  	[sflag:s12] =	ssyncset.done $0x0  }
0x2b: {  	[sflag:s12] =	ssyncadd.s32 $0xFFFFFF80  }
0x2c: {  	[hbm4b:s6+s2] =	stream.linear.scatter [tilespmem:s13], [sflag:$0x3], $0xD000, $0x38;
	[tilespmem:$0xEA00] =	vst v63  }
0x2d: {  	s15 =	sadd.s32 $0x1, s15;
	_ =	swait.ge [sflag:s9], $0xD000  }
0x2e: {  	p0 =	sne.s32 s15, s8;
	[sflag:s9] =	ssyncset.done $0x0  }
.Ltmp1:
0x2f: {  	[sflag:s9] =	ssyncadd.s32 $0xFFFF3000;
	(pc) =	sbr.rel @p0 .LBB2_1-.Ltmp1, $4  }
0x30: {  	[hbm4b:s7+s2] =	stream.linear.scatter [tilespmem:s14], [sflag:$0x3], $0xD00, $0x38;
	[tilespmem:$0xEA00] =	vst v63  }
0x31: {  	_ =	swait.ge [sflag:s9], $0xD00  }
0x32: {  	[sflag:s9] =	ssyncset.done $0x0  }
0x33: {  	[sflag:s9] =	ssyncadd.s32 $0xFFFFF300  }
0x34: {  	_ =	sfence.sel $0x180000  }
0x35: {  	[bflag:$0x0] =	sbarrier.arrive $0xFFFF  }
0x36: {  	p0 =	sne.s32 s0, $0x0;
	_ =	strace $0x90000047  }
0x37: {  	s0 =	sadd.s32 @!p0 $0x100000, s1;
	[bflag:$0x2] =	sbarrier.arrive $0xFFFF  }
0x38: {  	[sflag:s0] =	ssyncadd.tile.s32 @!p0 $0x1;
	_ =	shalt  }
.Lfunc_end2:
_tile_overlayer_lowered:
.L_overlay_start_2:
0x39: {  	(tag) =	ssettag $0x2  }
0x3a: {  	s0 =	rddreg [dreg:$0x0];
	s2 =	stileid.u32  }
0x3b: {  	s1 =	rddreg [dreg:$0x1];
	p0 =	sne.s32 s2, $0x0  }
0x3c: {  	s3 =	rddreg [dreg:$0x2];
	[bflag:$0x3] =	sbarrier.arrive $0xFFFF;
	s2 =	simm.s32 @!p0 $0x1C03  }
0x3d: {  	[timem:s3], [sflag:s2] =	dma.local @!p0 [hbm:s0], s1  }
0x3e: {  	s0 =	simm.s32 @!p0 $0x3  }
0x3f: {  	_ =	swait.ge @!p0 [sflag:s0], s1  }
0x40: {  	s1 =	ssub.s32 @!p0 $0x0, s1;
	[sflag:s0] =	ssyncset.done @!p0 $0x0  }
0x41: {  	[sflag:s0] =	ssyncadd.s32 @!p0 s1  }
0x42: {  	[bflag:$0x3] =	sbarrier.arrive $0xFFFF  }
0x43: {  	_ =	shalt  }

</sc_bundles>
